<compile_context>
chip_gen: v7x
topology: tpu7x:2x2x1
jax: 0.10.2.dev20260603
libtpu: 0.0.44.dev20260713+nightly
codegen_flags: <defaults>
</compile_context>

<pallas_src>
import functools

import jax
import jax.numpy as jnp
from jax import lax
from jax.experimental import pallas as pl
from jax.experimental.pallas import tpu as pltpu
from jax.experimental.pallas import tpu_sc as plsc

B, E, D = 2, 2048, 128
N, L = 128, 8
P = N * N
TOTAL = B * P

NC, NS, LANES = 2, 16, 16
NW = NC * NS
OUT_PER_W = TOTAL // NW
IDX_PER_W = OUT_PER_W * L
GROUPS = OUT_PER_W // LANES
W_PER_B = NW // B
E2 = E + D
KB = E2 // D


def _proj_body(emb_ref, ev_ref, out_ref):
    out_ref[0, :, :E] = lax.dot_general(
        ev_ref[...], emb_ref[0],
        dimension_numbers=(((1,), (1,)), ((), ())),
        preferred_element_type=jnp.float32)
    out_ref[0, :, E:] = jnp.zeros((L, E2 - E), jnp.float32)


def _project(emb, ev):
    return pl.pallas_call(
        _proj_body,
        grid=(B,),
        in_specs=[
            pl.BlockSpec((1, E, D), lambda b: (b, 0, 0)),
            pl.BlockSpec((L, D), lambda b: (0, 0)),
        ],
        out_specs=pl.BlockSpec((1, L, E2), lambda b: (b, 0, 0)),
        out_shape=jax.ShapeDtypeStruct((B, L, E2), jnp.float32),
    )(emb, ev)


def _sc_body(table_hbm, paths_hbm, out_hbm, table_v, paths_v, out_v, lut_v, sem):
    wid = lax.axis_index("s") * NC + lax.axis_index("c")
    b = wid // W_PER_B

    ct = pltpu.async_copy(table_hbm.at[b], table_v, sem)
    cp = pltpu.async_copy(
        paths_hbm.at[pl.ds(wid * IDX_PER_W, IDX_PER_W)], paths_v, sem)
    lane = lax.iota(jnp.int32, LANES)
    lut_v[pl.ds(0, LANES)] = 1.0 / (lane.astype(jnp.float32) + 1e-9)
    ct.wait()
    cp.wait()

    @plsc.parallel_loop(0, GROUPS, step=1)
    def group(g):
        base = (g >> 3) * (L * N) + (g & 7) * LANES
        raws = [paths_v[pl.ds(base + l * N, LANES)] for l in range(L)]
        signs = [r >> 31 for r in raws]
        vals = [
            plsc.load_gather(
                table_v,
                [jnp.full((LANES,), l, jnp.int32),
                 raws[l] + (signs[l] & (E + 1))])
            for l in range(L)
        ]
        while len(vals) > 1:
            vals = [a + b for a, b in zip(vals[::2], vals[1::2])]
        while len(signs) > 1:
            signs = [a + b for a, b in zip(signs[::2], signs[1::2])]
        rcp = plsc.load_gather(lut_v, [L + signs[0]])
        out_v[pl.ds(g * LANES, LANES)] = vals[0] * rcp

    pltpu.sync_copy(out_v, out_hbm.at[pl.ds(wid * OUT_PER_W, OUT_PER_W)])


_sc_gather = functools.partial(
    pl.kernel,
    out_type=jax.ShapeDtypeStruct((TOTAL,), jnp.float32),
    mesh=plsc.VectorSubcoreMesh(
        core_axis_name="c", subcore_axis_name="s",
        num_cores=NC, num_subcores=NS),
    scratch_types=[
        pltpu.VMEM((L, E2), jnp.float32),
        pltpu.VMEM((IDX_PER_W,), jnp.int32),
        pltpu.VMEM((OUT_PER_W,), jnp.float32),
        pltpu.VMEM((LANES,), jnp.float32),
        pltpu.SemaphoreType.DMA,
    ],
    compiler_params=pltpu.CompilerParams(needs_layout_passes=False),
)(_sc_body)


def kernel(edge_embedding, edge_paths, edge_vector):
    proj = _project(edge_embedding, edge_vector)
    paths = jnp.transpose(edge_paths, (0, 1, 3, 2)).reshape(TOTAL * L)
    out = _sc_gather(proj, paths)
    return out.reshape(B, N, N)

# --- scband reference (transcript-rebuilt; emitter-appended) ---
"""Pipeline reference for scband-edge-encoding-74844100100353 (READ-ONLY COPY).

The authoritative reference and input builder live on the scoring server;
editing this copy changes nothing except your own understanding.
"""

import jax, jax.numpy as jnp
import numpy as np


def setup_inputs(seed: int = 0) -> dict:
    key = jax.random.key(seed)
    k1, k2, k3 = jax.random.split(key, 3)
    B, E, d = 2, 2048, 128
    N, L = 128, 8
    edge_embedding = jax.random.normal(k1, (B, E, d), dtype=jnp.float32)
    # path indices in [-1, E); -1 marks padding (shorter paths), matching the torch module's mask semantics
    edge_paths = jax.random.randint(k2, (B, N, N, L), -1, E, dtype=jnp.int32)
    # learned parameter (torch inits to zeros; use small random values so the output is nontrivial)
    edge_vector = jax.random.normal(k3, (L, d), dtype=jnp.float32) * 0.02
    return {"edge_embedding": edge_embedding, "edge_paths": edge_paths, "edge_vector": edge_vector}


def reference(edge_embedding, edge_paths, edge_vector):
    eps = 1e-09
    B = edge_paths.shape[0]
    edge_mask = edge_paths == -1  # [B, N, N, L]
    edge_paths_clamped = jnp.clip(edge_paths, 0, None)
    batch_indices = jnp.arange(B).reshape(B, 1, 1, 1)
    batch_indices = jnp.broadcast_to(batch_indices, edge_paths.shape)
    # gather: edge_embedding[b, path_idx, :] -> [B, N, N, L, d]
    edge_path_embeddings = edge_embedding[batch_indices, edge_paths_clamped, :]
    edge_path_embeddings = jnp.where(edge_mask[..., None], 0.0, edge_path_embeddings)
    path_lengths = (~edge_mask).sum(axis=-1).astype(jnp.float32) + eps  # [B, N, N]
    edge_path_encoding = jnp.einsum('bnmld,ld->bnm', edge_path_embeddings, edge_vector)
    return edge_path_encoding / path_lengths

if __name__ == "__main__":
    import jax
    _d = setup_inputs()
    print(jax.jit(kernel)(*tuple(_d.values())))

</pallas_src>

<mosaic_0001>
#map = affine_map<(d0, d1) -> (0, 0, 0)>
#map1 = affine_map<(d0, d1) -> (0)>
module attributes {stable_mosaic.version = 14 : i64} {
  func.func @_sc_body(%arg0: i32, %arg1: i32, %arg2: memref<2x8x2176xf32, #tpu.memory_space<hbm>>, %arg3: memref<262144xi32, #tpu.memory_space<hbm>>, %arg4: memref<32768xf32, #tpu.memory_space<hbm>>, %arg5: memref<8x2176xf32, #tpu.memory_space<vmem>>, %arg6: memref<8192xi32, #tpu.memory_space<vmem>>, %arg7: memref<1024xf32, #tpu.memory_space<vmem>>, %arg8: memref<16xf32, #tpu.memory_space<vmem>>, %arg9: memref<!tpu.dma_semaphore, #tpu.memory_space<semaphore_mem>>) attributes {dimension_semantics = [#tpu.dimension_semantics<core_parallel>, #tpu.dimension_semantics<subcore_parallel>], iteration_bounds = array<i64: 2, 16>, scalar_prefetch = 0 : i64, scratch_operands = 5 : i64, tpu.core_type = #tpu.core_type<sc_vector_subcore>, window_params = [{transform_indices = #map}, {transform_indices = #map1}, {transform_indices = #map1}]} {
    %mul3A = arith.constant 2 : i32
    %mul3A_0 = arith.muli %arg1, %mul3A : i32
    %add3A = arith.addi %mul3A_0, %arg0 : i32
    %jit3A = arith.constant 16 : i32
    %div3A = arith.divsi %add3A, %jit3A : i32
    %sign3A = arith.constant 0 : i32
    %sign3A_1 = arith.cmpi sgt, %add3A, %sign3A : i32
    %sign3A_2 = arith.extui %sign3A_1 : i1 to i32
    %sign3A_3 = arith.constant 0 : i32
    %sign3A_4 = arith.cmpi slt, %add3A, %sign3A_3 : i32
    %sign3A_5 = arith.extui %sign3A_4 : i1 to i32
    %sign3A_6 = arith.subi %sign3A_2, %sign3A_5 : i32
    %sign3A_7 = arith.constant 0 : i32
    %sign3A_8 = arith.cmpi sgt, %jit3A, %sign3A_7 : i32
    %sign3A_9 = arith.extui %sign3A_8 : i1 to i32
    %sign3A_10 = arith.constant 0 : i32
    %sign3A_11 = arith.cmpi slt, %jit3A, %sign3A_10 : i32
    %sign3A_12 = arith.extui %sign3A_11 : i1 to i32
    %sign3A_13 = arith.subi %sign3A_9, %sign3A_12 : i32
    %ne3A = arith.cmpi ne, %sign3A_6, %sign3A_13 : i32
    %rem3A = arith.remsi %add3A, %jit3A : i32
    %ne3A_14 = arith.constant 0 : i32
    %ne3A_15 = arith.cmpi ne, %rem3A, %ne3A_14 : i32
    %and3A = arith.andi %ne3A, %ne3A_15 : i1
    %sub3A = arith.constant 1 : i32
    %sub3A_16 = arith.subi %div3A, %sub3A : i32
    %select_n3A = arith.select %and3A, %sub3A_16, %div3A : i32
    %dma_start3A = arith.constant 0 : i32
    %dma_start3A_17 = arith.constant 0 : i32
    %dma_start3A_18 = tpu.memref_slice %arg2[%select_n3A, %dma_start3A, %dma_start3A_17] : memref<2x8x2176xf32, #tpu.memory_space<hbm>> -> memref<1x8x2176xf32, #tpu.memory_space<hbm>>
    %dma_start3A_19 = tpu.memref_squeeze %dma_start3A_18 : memref<1x8x2176xf32, #tpu.memory_space<hbm>> -> memref<8x2176xf32, #tpu.memory_space<hbm>>
    %dma_start3A_20 = arith.constant 0 : i32
    %dma_start3A_21 = arith.constant 0 : i32
    %dma_start3A_22 = tpu.memref_slice %arg2[%select_n3A, %dma_start3A_20, %dma_start3A_21] : memref<2x8x2176xf32, #tpu.memory_space<hbm>> -> memref<1x8x2176xf32, #tpu.memory_space<hbm>>
    %dma_start3A_23 = tpu.memref_squeeze %dma_start3A_22 : memref<1x8x2176xf32, #tpu.memory_space<hbm>> -> memref<8x2176xf32, #tpu.memory_space<hbm>>
    tpu.enqueue_dma source(%dma_start3A_23 : memref<8x2176xf32, #tpu.memory_space<hbm>>) target(%arg5 : memref<8x2176xf32, #tpu.memory_space<vmem>>) target_semaphore(%arg9 : memref<!tpu.dma_semaphore, #tpu.memory_space<semaphore_mem>>)
    %mul3A_24 = arith.constant 8192 : i32
    %mul3A_25 = arith.muli %add3A, %mul3A_24 : i32
    %dma_start3A_26 = tpu.memref_slice %arg3[%mul3A_25] : memref<262144xi32, #tpu.memory_space<hbm>> -> memref<8192xi32, #tpu.memory_space<hbm>>
    %dma_start3A_27 = tpu.memref_slice %arg3[%mul3A_25] : memref<262144xi32, #tpu.memory_space<hbm>> -> memref<8192xi32, #tpu.memory_space<hbm>>
    tpu.enqueue_dma source(%dma_start3A_27 : memref<8192xi32, #tpu.memory_space<hbm>>) target(%arg6 : memref<8192xi32, #tpu.memory_space<vmem>>) target_semaphore(%arg9 : memref<!tpu.dma_semaphore, #tpu.memory_space<semaphore_mem>>)
    %iota3A = tpu.iota {dimensions = array<i32: 0>} : vector<16xi32>
    %convert_element_type3A = arith.sitofp %iota3A : vector<16xi32> to vector<16xf32>
    %add3A_28 = arith.constant 9.99999971E-10 : f32
    %add3A_29 = vector.broadcast %add3A_28 : f32 to vector<16xf32>
    %add3A_30 = arith.addf %convert_element_type3A, %add3A_29 : vector<16xf32>
    %div3A_31 = arith.constant 1.000000e+00 : f32
    %div3A_32 = vector.broadcast %div3A_31 : f32 to vector<16xf32>
    %div3A_33 = arith.divf %div3A_32, %add3A_30 : vector<16xf32>
    %swap3A = arith.constant 0 : index
    %swap3A_34 = tpu.vector_load %arg8[%swap3A] {strides = array<i32>} : memref<16xf32, #tpu.memory_space<vmem>>, vector<16xf32>,
    tpu.vector_store %arg8[%swap3A], %div3A_33 {strides = array<i32>} : memref<16xf32, #tpu.memory_space<vmem>>, vector<16xf32>,
    %dma_wait3A = arith.constant 0 : i32
    %dma_wait3A_35 = arith.constant 0 : i32
    %dma_wait3A_36 = tpu.memref_slice %arg2[%select_n3A, %dma_wait3A, %dma_wait3A_35] : memref<2x8x2176xf32, #tpu.memory_space<hbm>> -> memref<1x8x2176xf32, #tpu.memory_space<hbm>>
    %dma_wait3A_37 = tpu.memref_squeeze %dma_wait3A_36 : memref<1x8x2176xf32, #tpu.memory_space<hbm>> -> memref<8x2176xf32, #tpu.memory_space<hbm>>
    %dma_wait3A_38 = arith.constant 0 : i32
    %dma_wait3A_39 = arith.constant 0 : i32
    %dma_wait3A_40 = tpu.memref_slice %arg2[%select_n3A, %dma_wait3A_38, %dma_wait3A_39] : memref<2x8x2176xf32, #tpu.memory_space<hbm>> -> memref<1x8x2176xf32, #tpu.memory_space<hbm>>
    %dma_wait3A_41 = tpu.memref_squeeze %dma_wait3A_40 : memref<1x8x2176xf32, #tpu.memory_space<hbm>> -> memref<8x2176xf32, #tpu.memory_space<hbm>>
    tpu.wait_dma2 semaphore(%arg9 : memref<!tpu.dma_semaphore, #tpu.memory_space<semaphore_mem>>) src(%dma_wait3A_41 : memref<8x2176xf32, #tpu.memory_space<hbm>>) dst(%arg5 : memref<8x2176xf32, #tpu.memory_space<vmem>>)
    %dma_wait3A_42 = tpu.memref_slice %arg3[%mul3A_25] : memref<262144xi32, #tpu.memory_space<hbm>> -> memref<8192xi32, #tpu.memory_space<hbm>>
    %dma_wait3A_43 = tpu.memref_slice %arg3[%mul3A_25] : memref<262144xi32, #tpu.memory_space<hbm>> -> memref<8192xi32, #tpu.memory_space<hbm>>
    tpu.wait_dma2 semaphore(%arg9 : memref<!tpu.dma_semaphore, #tpu.memory_space<semaphore_mem>>) src(%dma_wait3A_43 : memref<8192xi32, #tpu.memory_space<hbm>>) dst(%arg6 : memref<8192xi32, #tpu.memory_space<vmem>>)
    %parallel_loop3A = arith.constant 0 : i32
    %parallel_loop3A_44 = arith.constant 64 : i32
    %parallel_loop3A_45 = arith.constant 1 : i32
    scf.for %parallel_loop3A_48 = %parallel_loop3A to %parallel_loop3A_44 step %parallel_loop3A_45  : i32 {
      %parallel_loop3A_49 = arith.constant 3 : i32
      %parallel_loop3A_50 = arith.shrsi %parallel_loop3A_48, %parallel_loop3A_49 : i32
      %parallel_loop3A_51 = arith.constant 1024 : i32
      %parallel_loop3A_52 = arith.muli %parallel_loop3A_50, %parallel_loop3A_51 : i32
      %parallel_loop3A_53 = arith.constant 7 : i32
      %parallel_loop3A_54 = arith.andi %parallel_loop3A_48, %parallel_loop3A_53 : i32
      %parallel_loop3A_55 = arith.constant 16 : i32
      %parallel_loop3A_56 = arith.muli %parallel_loop3A_54, %parallel_loop3A_55 : i32
      %parallel_loop3A_57 = arith.addi %parallel_loop3A_52, %parallel_loop3A_56 : i32
      %parallel_loop3A_58 = arith.constant 0 : i32
      %parallel_loop3A_59 = arith.addi %parallel_loop3A_57, %parallel_loop3A_58 : i32
      %parallel_loop3A_60 = arith.index_cast %parallel_loop3A_59 : i32 to index
      %parallel_loop3A_61 = tpu.vector_load %arg6[%parallel_loop3A_60] {strides = array<i32>} : memref<8192xi32, #tpu.memory_space<vmem>>, vector<16xi32>,
      %parallel_loop3A_62 = arith.constant 128 : i32
      %parallel_loop3A_63 = arith.addi %parallel_loop3A_57, %parallel_loop3A_62 : i32
      %parallel_loop3A_64 = arith.index_cast %parallel_loop3A_63 : i32 to index
      %parallel_loop3A_65 = tpu.vector_load %arg6[%parallel_loop3A_64] {strides = array<i32>} : memref<8192xi32, #tpu.memory_space<vmem>>, vector<16xi32>,
      %parallel_loop3A_66 = arith.constant 256 : i32
      %parallel_loop3A_67 = arith.addi %parallel_loop3A_57, %parallel_loop3A_66 : i32
      %parallel_loop3A_68 = arith.index_cast %parallel_loop3A_67 : i32 to index
      %parallel_loop3A_69 = tpu.vector_load %arg6[%parallel_loop3A_68] {strides = array<i32>} : memref<8192xi32, #tpu.memory_space<vmem>>, vector<16xi32>,
      %parallel_loop3A_70 = arith.constant 384 : i32
      %parallel_loop3A_71 = arith.addi %parallel_loop3A_57, %parallel_loop3A_70 : i32
      %parallel_loop3A_72 = arith.index_cast %parallel_loop3A_71 : i32 to index
      %parallel_loop3A_73 = tpu.vector_load %arg6[%parallel_loop3A_72] {strides = array<i32>} : memref<8192xi32, #tpu.memory_space<vmem>>, vector<16xi32>,
      %parallel_loop3A_74 = arith.constant 512 : i32
      %parallel_loop3A_75 = arith.addi %parallel_loop3A_57, %parallel_loop3A_74 : i32
      %parallel_loop3A_76 = arith.index_cast %parallel_loop3A_75 : i32 to index
      %parallel_loop3A_77 = tpu.vector_load %arg6[%parallel_loop3A_76] {strides = array<i32>} : memref<8192xi32, #tpu.memory_space<vmem>>, vector<16xi32>,
      %parallel_loop3A_78 = arith.constant 640 : i32
      %parallel_loop3A_79 = arith.addi %parallel_loop3A_57, %parallel_loop3A_78 : i32
      %parallel_loop3A_80 = arith.index_cast %parallel_loop3A_79 : i32 to index
      %parallel_loop3A_81 = tpu.vector_load %arg6[%parallel_loop3A_80] {strides = array<i32>} : memref<8192xi32, #tpu.memory_space<vmem>>, vector<16xi32>,
      %parallel_loop3A_82 = arith.constant 768 : i32
      %parallel_loop3A_83 = arith.addi %parallel_loop3A_57, %parallel_loop3A_82 : i32
      %parallel_loop3A_84 = arith.index_cast %parallel_loop3A_83 : i32 to index
      %parallel_loop3A_85 = tpu.vector_load %arg6[%parallel_loop3A_84] {strides = array<i32>} : memref<8192xi32, #tpu.memory_space<vmem>>, vector<16xi32>,
      %parallel_loop3A_86 = arith.constant 896 : i32
      %parallel_loop3A_87 = arith.addi %parallel_loop3A_57, %parallel_loop3A_86 : i32
      %parallel_loop3A_88 = arith.index_cast %parallel_loop3A_87 : i32 to index
      %parallel_loop3A_89 = tpu.vector_load %arg6[%parallel_loop3A_88] {strides = array<i32>} : memref<8192xi32, #tpu.memory_space<vmem>>, vector<16xi32>,
      %parallel_loop3A_90 = arith.constant 31 : i32
      %parallel_loop3A_91 = vector.broadcast %parallel_loop3A_90 : i32 to vector<16xi32>
      %parallel_loop3A_92 = arith.shrsi %parallel_loop3A_61, %parallel_loop3A_91 : vector<16xi32>
      %parallel_loop3A_93 = arith.constant 31 : i32
      %parallel_loop3A_94 = vector.broadcast %parallel_loop3A_93 : i32 to vector<16xi32>
      %parallel_loop3A_95 = arith.shrsi %parallel_loop3A_65, %parallel_loop3A_94 : vector<16xi32>
      %parallel_loop3A_96 = arith.constant 31 : i32
      %parallel_loop3A_97 = vector.broadcast %parallel_loop3A_96 : i32 to vector<16xi32>
      %parallel_loop3A_98 = arith.shrsi %parallel_loop3A_69, %parallel_loop3A_97 : vector<16xi32>
      %parallel_loop3A_99 = arith.constant 31 : i32
      %parallel_loop3A_100 = vector.broadcast %parallel_loop3A_99 : i32 to vector<16xi32>
      %parallel_loop3A_101 = arith.shrsi %parallel_loop3A_73, %parallel_loop3A_100 : vector<16xi32>
      %parallel_loop3A_102 = arith.constant 31 : i32
      %parallel_loop3A_103 = vector.broadcast %parallel_loop3A_102 : i32 to vector<16xi32>
      %parallel_loop3A_104 = arith.shrsi %parallel_loop3A_77, %parallel_loop3A_103 : vector<16xi32>
      %parallel_loop3A_105 = arith.constant 31 : i32
      %parallel_loop3A_106 = vector.broadcast %parallel_loop3A_105 : i32 to vector<16xi32>
      %parallel_loop3A_107 = arith.shrsi %parallel_loop3A_81, %parallel_loop3A_106 : vector<16xi32>
      %parallel_loop3A_108 = arith.constant 31 : i32
      %parallel_loop3A_109 = vector.broadcast %parallel_loop3A_108 : i32 to vector<16xi32>
      %parallel_loop3A_110 = arith.shrsi %parallel_loop3A_85, %parallel_loop3A_109 : vector<16xi32>
      %parallel_loop3A_111 = arith.constant 31 : i32
      %parallel_loop3A_112 = vector.broadcast %parallel_loop3A_111 : i32 to vector<16xi32>
      %parallel_loop3A_113 = arith.shrsi %parallel_loop3A_89, %parallel_loop3A_112 : vector<16xi32>
      %parallel_loop3A_114 = arith.constant 0 : i32
      %parallel_loop3A_115 = vector.broadcast %parallel_loop3A_114 : i32 to vector<16xi32>
      %parallel_loop3A_116 = arith.constant 2049 : i32
      %parallel_loop3A_117 = vector.broadcast %parallel_loop3A_116 : i32 to vector<16xi32>
      %parallel_loop3A_118 = arith.andi %parallel_loop3A_92, %parallel_loop3A_117 : vector<16xi32>
      %parallel_loop3A_119 = arith.addi %parallel_loop3A_61, %parallel_loop3A_118 : vector<16xi32>
      %parallel_loop3A_120 = tpu.vector_load_idx %arg5[%parallel_loop3A_115, %parallel_loop3A_119] : memref<8x2176xf32, #tpu.memory_space<vmem>>[vector<16xi32>, vector<16xi32>], vector<16xf32>,
      %parallel_loop3A_121 = arith.constant 1 : i32
      %parallel_loop3A_122 = vector.broadcast %parallel_loop3A_121 : i32 to vector<16xi32>
      %parallel_loop3A_123 = arith.constant 2049 : i32
      %parallel_loop3A_124 = vector.broadcast %parallel_loop3A_123 : i32 to vector<16xi32>
      %parallel_loop3A_125 = arith.andi %parallel_loop3A_95, %parallel_loop3A_124 : vector<16xi32>
      %parallel_loop3A_126 = arith.addi %parallel_loop3A_65, %parallel_loop3A_125 : vector<16xi32>
      %parallel_loop3A_127 = tpu.vector_load_idx %arg5[%parallel_loop3A_122, %parallel_loop3A_126] : memref<8x2176xf32, #tpu.memory_space<vmem>>[vector<16xi32>, vector<16xi32>], vector<16xf32>,
      %parallel_loop3A_128 = arith.constant 2 : i32
      %parallel_loop3A_129 = vector.broadcast %parallel_loop3A_128 : i32 to vector<16xi32>
      %parallel_loop3A_130 = arith.constant 2049 : i32
      %parallel_loop3A_131 = vector.broadcast %parallel_loop3A_130 : i32 to vector<16xi32>
      %parallel_loop3A_132 = arith.andi %parallel_loop3A_98, %parallel_loop3A_131 : vector<16xi32>
      %parallel_loop3A_133 = arith.addi %parallel_loop3A_69, %parallel_loop3A_132 : vector<16xi32>
      %parallel_loop3A_134 = tpu.vector_load_idx %arg5[%parallel_loop3A_129, %parallel_loop3A_133] : memref<8x2176xf32, #tpu.memory_space<vmem>>[vector<16xi32>, vector<16xi32>], vector<16xf32>,
      %parallel_loop3A_135 = arith.constant 3 : i32
      %parallel_loop3A_136 = vector.broadcast %parallel_loop3A_135 : i32 to vector<16xi32>
      %parallel_loop3A_137 = arith.constant 2049 : i32
      %parallel_loop3A_138 = vector.broadcast %parallel_loop3A_137 : i32 to vector<16xi32>
      %parallel_loop3A_139 = arith.andi %parallel_loop3A_101, %parallel_loop3A_138 : vector<16xi32>
      %parallel_loop3A_140 = arith.addi %parallel_loop3A_73, %parallel_loop3A_139 : vector<16xi32>
      %parallel_loop3A_141 = tpu.vector_load_idx %arg5[%parallel_loop3A_136, %parallel_loop3A_140] : memref<8x2176xf32, #tpu.memory_space<vmem>>[vector<16xi32>, vector<16xi32>], vector<16xf32>,
      %parallel_loop3A_142 = arith.constant 4 : i32
      %parallel_loop3A_143 = vector.broadcast %parallel_loop3A_142 : i32 to vector<16xi32>
      %parallel_loop3A_144 = arith.constant 2049 : i32
      %parallel_loop3A_145 = vector.broadcast %parallel_loop3A_144 : i32 to vector<16xi32>
      %parallel_loop3A_146 = arith.andi %parallel_loop3A_104, %parallel_loop3A_145 : vector<16xi32>
      %parallel_loop3A_147 = arith.addi %parallel_loop3A_77, %parallel_loop3A_146 : vector<16xi32>
      %parallel_loop3A_148 = tpu.vector_load_idx %arg5[%parallel_loop3A_143, %parallel_loop3A_147] : memref<8x2176xf32, #tpu.memory_space<vmem>>[vector<16xi32>, vector<16xi32>], vector<16xf32>,
      %parallel_loop3A_149 = arith.constant 5 : i32
      %parallel_loop3A_150 = vector.broadcast %parallel_loop3A_149 : i32 to vector<16xi32>
      %parallel_loop3A_151 = arith.constant 2049 : i32
      %parallel_loop3A_152 = vector.broadcast %parallel_loop3A_151 : i32 to vector<16xi32>
      %parallel_loop3A_153 = arith.andi %parallel_loop3A_107, %parallel_loop3A_152 : vector<16xi32>
      %parallel_loop3A_154 = arith.addi %parallel_loop3A_81, %parallel_loop3A_153 : vector<16xi32>
      %parallel_loop3A_155 = tpu.vector_load_idx %arg5[%parallel_loop3A_150, %parallel_loop3A_154] : memref<8x2176xf32, #tpu.memory_space<vmem>>[vector<16xi32>, vector<16xi32>], vector<16xf32>,
      %parallel_loop3A_156 = arith.constant 6 : i32
      %parallel_loop3A_157 = vector.broadcast %parallel_loop3A_156 : i32 to vector<16xi32>
      %parallel_loop3A_158 = arith.constant 2049 : i32
      %parallel_loop3A_159 = vector.broadcast %parallel_loop3A_158 : i32 to vector<16xi32>
      %parallel_loop3A_160 = arith.andi %parallel_loop3A_110, %parallel_loop3A_159 : vector<16xi32>
      %parallel_loop3A_161 = arith.addi %parallel_loop3A_85, %parallel_loop3A_160 : vector<16xi32>
      %parallel_loop3A_162 = tpu.vector_load_idx %arg5[%parallel_loop3A_157, %parallel_loop3A_161] : memref<8x2176xf32, #tpu.memory_space<vmem>>[vector<16xi32>, vector<16xi32>], vector<16xf32>,
      %parallel_loop3A_163 = arith.constant 7 : i32
      %parallel_loop3A_164 = vector.broadcast %parallel_loop3A_163 : i32 to vector<16xi32>
      %parallel_loop3A_165 = arith.constant 2049 : i32
      %parallel_loop3A_166 = vector.broadcast %parallel_loop3A_165 : i32 to vector<16xi32>
      %parallel_loop3A_167 = arith.andi %parallel_loop3A_113, %parallel_loop3A_166 : vector<16xi32>
      %parallel_loop3A_168 = arith.addi %parallel_loop3A_89, %parallel_loop3A_167 : vector<16xi32>
      %parallel_loop3A_169 = tpu.vector_load_idx %arg5[%parallel_loop3A_164, %parallel_loop3A_168] : memref<8x2176xf32, #tpu.memory_space<vmem>>[vector<16xi32>, vector<16xi32>], vector<16xf32>,
      %parallel_loop3A_170 = arith.addf %parallel_loop3A_120, %parallel_loop3A_127 : vector<16xf32>
      %parallel_loop3A_171 = arith.addf %parallel_loop3A_134, %parallel_loop3A_141 : vector<16xf32>
      %parallel_loop3A_172 = arith.addf %parallel_loop3A_148, %parallel_loop3A_155 : vector<16xf32>
      %parallel_loop3A_173 = arith.addf %parallel_loop3A_162, %parallel_loop3A_169 : vector<16xf32>
      %parallel_loop3A_174 = arith.addf %parallel_loop3A_170, %parallel_loop3A_171 : vector<16xf32>
      %parallel_loop3A_175 = arith.addf %parallel_loop3A_172, %parallel_loop3A_173 : vector<16xf32>
      %parallel_loop3A_176 = arith.addf %parallel_loop3A_174, %parallel_loop3A_175 : vector<16xf32>
      %parallel_loop3A_177 = arith.addi %parallel_loop3A_92, %parallel_loop3A_95 : vector<16xi32>
      %parallel_loop3A_178 = arith.addi %parallel_loop3A_98, %parallel_loop3A_101 : vector<16xi32>
      %parallel_loop3A_179 = arith.addi %parallel_loop3A_104, %parallel_loop3A_107 : vector<16xi32>
      %parallel_loop3A_180 = arith.addi %parallel_loop3A_110, %parallel_loop3A_113 : vector<16xi32>
      %parallel_loop3A_181 = arith.addi %parallel_loop3A_177, %parallel_loop3A_178 : vector<16xi32>
      %parallel_loop3A_182 = arith.addi %parallel_loop3A_179, %parallel_loop3A_180 : vector<16xi32>
      %parallel_loop3A_183 = arith.addi %parallel_loop3A_181, %parallel_loop3A_182 : vector<16xi32>
      %parallel_loop3A_184 = arith.constant 8 : i32
      %parallel_loop3A_185 = vector.broadcast %parallel_loop3A_184 : i32 to vector<16xi32>
      %parallel_loop3A_186 = arith.addi %parallel_loop3A_185, %parallel_loop3A_183 : vector<16xi32>
      %parallel_loop3A_187 = tpu.vector_load_idx %arg8[%parallel_loop3A_186] : memref<16xf32, #tpu.memory_space<vmem>>[vector<16xi32>], vector<16xf32>,
      %parallel_loop3A_188 = arith.mulf %parallel_loop3A_176, %parallel_loop3A_187 : vector<16xf32>
      %parallel_loop3A_189 = arith.constant 16 : i32
      %parallel_loop3A_190 = arith.muli %parallel_loop3A_48, %parallel_loop3A_189 : i32
      %parallel_loop3A_191 = arith.index_cast %parallel_loop3A_190 : i32 to index
      %parallel_loop3A_192 = tpu.vector_load %arg7[%parallel_loop3A_191] {strides = array<i32>} : memref<1024xf32, #tpu.memory_space<vmem>>, vector<16xf32>,
      tpu.vector_store %arg7[%parallel_loop3A_191], %parallel_loop3A_188 {strides = array<i32>} : memref<1024xf32, #tpu.memory_space<vmem>>, vector<16xf32>,
    } {sc.loop_unroll_factor = 1 : i64, sc.parallel_access}
    %mul3A_46 = arith.constant 1024 : i32
    %mul3A_47 = arith.muli %add3A, %mul3A_46 : i32
    "tpu.region"() ({
      %run_scoped3A = tpu.sem_alloc : memref<!tpu.dma_semaphore, #tpu.memory_space<semaphore_mem>>
      %dma_start3A_48 = tpu.memref_slice %arg4[%mul3A_47] : memref<32768xf32, #tpu.memory_space<hbm>> -> memref<1024xf32, #tpu.memory_space<hbm>>
      %dma_start3A_49 = tpu.memref_slice %arg4[%mul3A_47] : memref<32768xf32, #tpu.memory_space<hbm>> -> memref<1024xf32, #tpu.memory_space<hbm>>
      tpu.enqueue_dma source(%arg7 : memref<1024xf32, #tpu.memory_space<vmem>>) target(%dma_start3A_49 : memref<1024xf32, #tpu.memory_space<hbm>>) target_semaphore(%run_scoped3A : memref<!tpu.dma_semaphore, #tpu.memory_space<semaphore_mem>>)
      %dma_wait3A_50 = tpu.memref_slice %arg4[%mul3A_47] : memref<32768xf32, #tpu.memory_space<hbm>> -> memref<1024xf32, #tpu.memory_space<hbm>>
      %dma_wait3A_51 = tpu.memref_slice %arg4[%mul3A_47] : memref<32768xf32, #tpu.memory_space<hbm>> -> memref<1024xf32, #tpu.memory_space<hbm>>
      tpu.wait_dma2 semaphore(%run_scoped3A : memref<!tpu.dma_semaphore, #tpu.memory_space<semaphore_mem>>) src(%arg7 : memref<1024xf32, #tpu.memory_space<vmem>>) dst(%dma_wait3A_51 : memref<1024xf32, #tpu.memory_space<hbm>>)
      tpu.yield
    }) : () -> ()
    return
  }
}

module attributes {stable_mosaic.version = 14 : i64} {
  func.func @_proj_body(%arg0: i32, %arg1: memref<1x2048x128xf32, #tpu.memory_space<vmem>>, %arg2: memref<8x128xf32, #tpu.memory_space<vmem>>, %arg3: memref<1x8x2176xf32, #tpu.memory_space<vmem>>) attributes {dimension_semantics = [#tpu.dimension_semantics<arbitrary>], iteration_bounds = array<i64: 2>, scalar_prefetch = 0 : i64, scratch_operands = 0 : i64, tpu.core_type = #tpu.core_type<tc>, window_params = [{transform_indices = @transform_0, window_bounds = array<i64: 1, 2048, 128>}, {pipeline_mode = #tpu.pipeline_mode<synchronous>, transform_indices = @transform_1, window_bounds = array<i64: 8, 128>}, {transform_indices = @transform_2, window_bounds = array<i64: 1, 8, 2176>}]} {
    %get3A = arith.constant 0 : index
    %get3A_0 = arith.constant 0 : index
    %get3A_1 = vector.load %arg2[%get3A, %get3A_0] : memref<8x128xf32, #tpu.memory_space<vmem>>, vector<8x128xf32>
    %get3A_2 = arith.constant 0 : index
    %get3A_3 = arith.constant 0 : index
    %get3A_4 = arith.constant 0 : index
    %get3A_5 = vector.load %arg1[%get3A_2, %get3A_3, %get3A_4] : memref<1x2048x128xf32, #tpu.memory_space<vmem>>, vector<1x2048x128xf32>
    %get3A_6 = vector.shape_cast %get3A_5 : vector<1x2048x128xf32> to vector<2048x128xf32>
    %dot_general3A = arith.constant dense<0.000000e+00> : vector<8x2048xf32>
    %dot_general3A_7 = tpu.matmul %get3A_1, %get3A_6, %dot_general3A {dimension_numbers = #tpu.dot_dimension_numbers<[1], [1], [0], [0], [0, 0, 1, 0], [], []>, transpose_lhs_hint = false} : vector<8x128xf32>, vector<2048x128xf32>, vector<8x2048xf32> -> vector<8x2048xf32>
    %swap3A = arith.constant 0 : index
    %swap3A_8 = arith.constant 0 : index
    %swap3A_9 = arith.constant 0 : index
    %swap3A_10 = vector.load %arg3[%swap3A, %swap3A_8, %swap3A_9] : memref<1x8x2176xf32, #tpu.memory_space<vmem>>, vector<1x8x2048xf32>
    %swap3A_11 = vector.shape_cast %swap3A_10 : vector<1x8x2048xf32> to vector<8x2048xf32>
    %swap3A_12 = vector.shape_cast %dot_general3A_7 : vector<8x2048xf32> to vector<1x8x2048xf32>
    tpu.vector_store %arg3[%swap3A, %swap3A_8, %swap3A_9], %swap3A_12 {strides = array<i32>} : memref<1x8x2176xf32, #tpu.memory_space<vmem>>, vector<1x8x2048xf32>,
    %broadcast_in_dim3A = arith.constant 0.000000e+00 : f32
    %broadcast_in_dim3A_13 = vector.broadcast %broadcast_in_dim3A : f32 to vector<8x128xf32>
    %swap3A_14 = arith.constant 0 : index
    %swap3A_15 = arith.constant 0 : index
    %swap3A_16 = arith.constant 2048 : index
    %swap3A_17 = vector.load %arg3[%swap3A_14, %swap3A_15, %swap3A_16] : memref<1x8x2176xf32, #tpu.memory_space<vmem>>, vector<1x8x128xf32>
    %swap3A_18 = vector.shape_cast %swap3A_17 : vector<1x8x128xf32> to vector<8x128xf32>
    %swap3A_19 = vector.shape_cast %broadcast_in_dim3A_13 : vector<8x128xf32> to vector<1x8x128xf32>
    tpu.vector_store %arg3[%swap3A_14, %swap3A_15, %swap3A_16], %swap3A_19 {strides = array<i32>} : memref<1x8x2176xf32, #tpu.memory_space<vmem>>, vector<1x8x128xf32>,
    return
  }
  func.func @transform_0(%arg0: i32) -> (i32, i32, i32) {
    %c0_i32 = arith.constant 0 : i32
    %c0_i32_0 = arith.constant 0 : i32
    %c0_i32_1 = arith.constant 0 : i32
    return %arg0, %c0_i32, %c0_i32_0 : i32, i32, i32
  }
  func.func @transform_1(%arg0: i32) -> (i32, i32) {
    %c0_i32 = arith.constant 0 : i32
    %c0_i32_0 = arith.constant 0 : i32
    %c0_i32_1 = arith.constant 0 : i32
    return %c0_i32, %c0_i32_0 : i32, i32
  }
  func.func @transform_2(%arg0: i32) -> (i32, i32, i32) {
    %c0_i32 = arith.constant 0 : i32
    %c0_i32_0 = arith.constant 0 : i32
    %c0_i32_1 = arith.constant 0 : i32
    return %arg0, %c0_i32, %c0_i32_0 : i32, i32, i32
  }
}

</mosaic_0001>

<sc_bundles>
// kernel: kernel.4.cloned.1.call-start
scs
__scs_entry_jumppad:
0x0: {  	(pc) =	sbr.rel $0x88, $3  }
0x1: {  	(tag) =	ssettag $0x0;
	lr =	simm.s32 $0x1  }
0x2: {  	[smem:$0x3F9E] =	sst lr;
	_ =	strace $0xD0000000  }
0x3: {  	_ = 	snop  }
0x4: {  	_ = 	snop  }
0x5: {  	_ = 	snop  }
0x6: {  	_ = 	snop  }
0x7: {  	_ = 	snop  }
__scs_overlays_trampoline_lowered:
0x8: {  	[smem:$0x3FAD] =	sst s0  }
0x9: {  	[smem:$0x3FAE] =	sst s1  }
0xa: {  	[smem:$0x3FAF] =	sst s2  }
0xb: {  	[smem:$0x3FB0] =	sst s3  }
0xc: {  	[smem:$0x3FB1] =	sst s4  }
0xd: {  	[smem:$0x3FB2] =	sst s5  }
0xe: {  	[smem:$0x3FB3] =	sst s6  }
0xf: {  	[smem:$0x3FB4] =	sst s7  }
0x10: {  	[smem:$0x3FB5] =	sst s8  }
0x11: {  	[smem:$0x3FB6] =	sst s9;
	s0 =	simm.s32 @!p0 $0x0  }
0x12: {  	s1 =	sld [smem:$0x3F9C];
	s0 =	simm.s32 @p0 $0x1  }
0x13: {  	[smem:$0x3FB7] =	sst s0;
	s0 =	simm.s32 @!p1 $0x0  }
0x14: {  	s2 =	sld [smem:$0x3F9B];
	s0 =	simm.s32 @p1 $0x1  }
0x15: {  	[smem:$0x3FB8] =	sst s0;
	s0 =	simm.s32 @!p2 $0x0  }
0x16: {  	s3 =	sld [smem:$0x3FDB];
	s0 =	simm.s32 @p2 $0x1  }
0x17: {  	s4 =	simm.s32 $0x1BF5;
	[smem:$0x3FBA] =	sst s0  }
0x18: {  	s0 =	sld [smem:$0x3F9D];
	_ =	swait.ge [sflag:s4], $0x0  }
0x19: {  	s7 =	sld [smem:$0x3F9E]  }
0x1a: {  	s8 =	sadd.s32 $0xFFFFE003, lr  }
0x1b: {  	s9 =	sadd.s32 $0xFFFFFEF7, lr;
	s5 =	simm.s32 $0xFFFFFFFF;
	p2 =	slt.u32 s8, $0xFFFFF086  }
0x1c: {  	p1 =	slt.u32 s9, $0xF7A;
	s5 =	simm.s32 @!p2 $0x0  }
0x1d: {  	s5 =	simm.s32 @p1 $0x1;
	p0 =	seq.s32 s7, s2  }
0x1e: {  	s7 =	smul.u32 @!p0 $0xF7A, s2;
	p2 =	seq.s32 @!p0 s5, $0x0  }
0x1f: {  	s9 =	smul.u32 $0xF7A, s1;
	s8 =	simm.s32 @!p0 $0x1BF5;
	p2 =	por !p2, p0  }
0x20: {  	[sflag:s8] =	ssyncset.s32 @!p0 $0xFFFFF086;
	s6 =	sadd.s32 @!p0 s3, s7;
	s7 =	simm.s32 @!p0 $0x108  }
0x21: {  	s3 =	sadd.s32 s3, s9;
	s6 =	sadd.s32 @!p0 $0x88, s6;
	s7 =	simm.s32 @p2 $0x1082  }
0x22: {  	[simem:s7], [sflag:s8] =	dma.local @!p0 [hbm:s6], $0xF7A  }
0x23: {  	s9 =	sor.u32 $0xD0000000, s2;
	s6 =	simm.s32 $0x108;
	_ =	swait.ge @!p0 [sflag:s8], $0x0  }
0x24: {  	s3 =	sadd.s32 $0x88, s3;
	s6 =	simm.s32 @!p1 $0x1082;
	[sflag:s4] =	ssyncset.s32 $0xFFFFF086  }
0x25: {  	[simem:s6], [sflag:s4] =	dma.local [hbm:s3], $0xF7A  }
0x26: {  	[smem:$0x3F9E] =	sst s1;
	(tag) =	ssettag s2;
	_ =	strace s9  }
0x27: {  	s1 =	sld [smem:$0x3FAE]  }
0x28: {  	s2 =	sld [smem:$0x3FAF]  }
0x29: {  	s4 =	sld [smem:$0x3FB1]  }
0x2a: {  	p0 =	seq.s32 s5, $0x0;
	s5 =	sld [smem:$0x3FB2]  }
0x2b: {  	s6 =	sld [smem:$0x3FB3]  }
0x2c: {  	s7 =	sld [smem:$0x3FB4]  }
0x2d: {  	s3 =	simm.s32 $0x108;
	s8 =	sld [smem:$0x3FB5]  }
0x2e: {  	s3 =	simm.s32 @!p0 $0x1082;
	s9 =	sld [smem:$0x3FB6]  }
0x2f: {  	lr =	sadd.s32 s0, s3;
	s0 =	sld [smem:$0x3FAD]  }
0x30: {  	s3 =	sld [smem:$0x3FB0]  }
0x31: {  	[smem:$0x3FB9] =	sst s10  }
0x32: {  	s10 =	sld [smem:$0x3FB7];
	_ =	sdelay $0x3  }
0x33: {  	p0 =	seq.s32 s10, $0x1;
	s10 =	sld [smem:$0x3FB9];
	_ =	sdelay $0x3  }
0x34: {  	[smem:$0x3FB9] =	sst s10  }
0x35: {  	s10 =	sld [smem:$0x3FB8];
	_ =	sdelay $0x3  }
0x36: {  	p1 =	seq.s32 s10, $0x1;
	s10 =	sld [smem:$0x3FB9];
	_ =	sdelay $0x3  }
0x37: {  	[smem:$0x3FB9] =	sst s10  }
0x38: {  	s10 =	sld [smem:$0x3FBA]  }
0x39: {  	_ = 	snop;
	(pc) =	sbr.ind lr, $3  }
0x3a: {  	_ = 	snop  }
0x3b: {  	_ = 	snop  }
0x3c: {  	p2 =	seq.s32 s10, $0x1;
	s10 =	sld [smem:$0x3FB9]  }
0x3d: {  	_ =	shalt  }
0x3e: {  	_ =	shalt  }
0x3f: {  	_ =	shalt  }
0x40: {  	_ =	shalt  }
0x41: {  	_ =	shalt  }
0x42: {  	_ =	shalt  }
0x43: {  	_ =	shalt  }
0x44: {  	_ =	shalt  }
0x45: {  	_ =	shalt  }
0x46: {  	_ =	shalt  }
0x47: {  	_ =	shalt  }
0x48: {  	_ =	shalt  }
0x49: {  	_ =	shalt  }
0x4a: {  	_ =	shalt  }
0x4b: {  	_ =	shalt  }
0x4c: {  	_ =	shalt  }
0x4d: {  	_ =	shalt  }
0x4e: {  	_ =	shalt  }
0x4f: {  	_ =	shalt  }
0x50: {  	_ =	shalt  }
0x51: {  	_ =	shalt  }
0x52: {  	_ =	shalt  }
0x53: {  	_ =	shalt  }
0x54: {  	_ =	shalt  }
0x55: {  	_ =	shalt  }
0x56: {  	_ =	shalt  }
0x57: {  	_ =	shalt  }
0x58: {  	_ =	shalt  }
0x59: {  	_ =	shalt  }
0x5a: {  	_ =	shalt  }
0x5b: {  	_ =	shalt  }
0x5c: {  	_ =	shalt  }
0x5d: {  	_ =	shalt  }
0x5e: {  	_ =	shalt  }
0x5f: {  	_ =	shalt  }
0x60: {  	_ =	shalt  }
0x61: {  	_ =	shalt  }
0x62: {  	_ =	shalt  }
0x63: {  	_ =	shalt  }
0x64: {  	_ =	shalt  }
0x65: {  	_ =	shalt  }
0x66: {  	_ =	shalt  }
0x67: {  	_ =	shalt  }
0x68: {  	_ =	shalt  }
0x69: {  	_ =	shalt  }
0x6a: {  	_ =	shalt  }
0x6b: {  	_ =	shalt  }
0x6c: {  	_ =	shalt  }
0x6d: {  	_ =	shalt  }
0x6e: {  	_ =	shalt  }
0x6f: {  	_ =	shalt  }
0x70: {  	_ =	shalt  }
0x71: {  	_ =	shalt  }
0x72: {  	_ =	shalt  }
0x73: {  	_ =	shalt  }
0x74: {  	_ =	shalt  }
0x75: {  	_ =	shalt  }
0x76: {  	_ =	shalt  }
0x77: {  	_ =	shalt  }
0x78: {  	_ =	shalt  }
0x79: {  	_ =	shalt  }
0x7a: {  	_ =	shalt  }
0x7b: {  	_ =	shalt  }
0x7c: {  	_ =	shalt  }
0x7d: {  	_ =	shalt  }
0x7e: {  	_ =	shalt  }
0x7f: {  	_ =	shalt  }
0x80: {  	_ =	shalt  }
0x81: {  	_ =	shalt  }
0x82: {  	_ =	shalt  }
0x83: {  	_ =	shalt  }
0x84: {  	_ =	shalt  }
0x85: {  	_ =	shalt  }
0x86: {  	_ =	shalt  }
0x87: {  	_ =	shalt  }
.Lfunc_end0:
.L_simem_size_0:
called_computation_lowered:
.L_overlay_start_0:
0x88: {  	s2 =	sld [smem:$0x3FD9]  }
0x89: {  	s3 =	sld [smem:$0x3FFE];
	_ =	sdelay $0x1  }
0x8a: {  	s1 =	srdreg.scid  }
0x8b: {  	s0 =	sand.u32 $0x1, s1  }
0x8c: {  	s17 =	sshll.u32 s0, $0xA;
	s2 =	sadd.s32 s3, s2  }
0x8d: {  	s2 =	sadd.s32 s2, s17  }
0x8e: {  	[smem:$0x3FC5] =	sst s2  }
0x8f: {  	_ = 	snop  }
0x90: {  	s2 =	sld [smem:$0x3FC8]  }
0x91: {  	s18 =	sld [smem:$0x3FD0];
	(tm) =	ssettm $0x1  }
0x92: {  	s4 =	sld [smem:$0x3FFB];
	_ =	sdelay $0x3  }
0x93: {  	_ =	strace s4  }
0x94: {  	s4 =	sld [smem:$0x3FFC];
	_ =	sdelay $0x3  }
0x95: {  	_ =	strace s4  }
0x96: {  	s4 =	sld [smem:$0x3FFD];
	_ =	sdelay $0x3  }
0x97: {  	_ =	strace s4  }
0x98: {  	_ =	strace $0x8FFFFFFF  }
0x99: {  	s19 =	sld [smem:$0x3FDB];
	_ =	sdelay $0x1  }
0x9a: {  	s5 =	simm.s32 $_scs_section_size  }
0x9b: {  	s6 =	simm.s32 $_size__tile_overlayer_lowered;
	s7 =	simm.s32 $_tile_overlayer_lowered  }
0x9c: {  	s22 =	simm.s32 $0x1BFF;
	s21 =	sshll.u32 s7, $0x1;
	s4 =	sadd.s32 s5, s19  }
0x9d: {  	s8 =	simm.s32 $0x0;
	s20 =	sshll.u32 s6, $0x1;
	s6 =	sadd.s32 s21, s4  }
0x9e: {  	[timem:s8], [sflag:s22] =	dma.local [hbm:s6], s20  }
0x9f: {  	_ =	swait.ge [sflag:s22], s20  }
0xa0: {  	s5 =	ssub.s32 $0x0, s20;
	[sflag:s22] =	ssyncset.done $0x0  }
0xa1: {  	[sflag:s22] =	ssyncadd.s32 s5;
	_ =	sdelay $0x1  }
0xa2: {  	s23 =	simm.s32 $0x1B8B  }
0xa3: {  	_ =	swait.ge [sflag:s23], $0x1  }
0xa4: {  	[sflag:s23] =	ssyncset.done $0x0  }
0xa5: {  	s25 =	simm.s32 $0x1B8E;
	s24 =	sld [smem:$0x3FFE];
	[sflag:s23] =	ssyncadd.s32 $0xFFFFFFFF  }
0xa6: {  	s26 =	simm.s32 $execute0_lowered;
	[smem:$0x3FD2] =	sst s25  }
0xa7: {  	s6 =	sshll.u32 s26, $0x1;
	_ =	strace $0x80000046;
	[dreg:$0x1] =	wrdreg $0xFFFFFFFF  }
0xa8: {  	s28 =	simm.s32 $_size_execute0_lowered;
	s4 =	sadd.s32 s4, s6;
	[dreg:$0x0] =	wrdreg $0x0  }
0xa9: {  	s6 =	sshll.u32 s28, $0x1;
	[dreg:$0x2] =	wrdreg s4  }
0xaa: {  	[dreg:$0x3] =	wrdreg s6  }
0xab: {  	[dreg:$0x4] =	wrdreg $0xC0  }
0xac: {  	_ =	task [dreg:s8], $0x5FFFF  }
0xad: {  	[dreg:$0x1] =	wrdreg $0xFFFFFFFF  }
0xae: {  	[dreg:$0x0] =	wrdreg $0x60  }
0xaf: {  	[dreg:$0x2] =	wrdreg s24  }
0xb0: {  	[dreg:$0x3] =	wrdreg s2  }
0xb1: {  	[dreg:$0x4] =	wrdreg s18  }
0xb2: {  	[dreg:$0x5] =	wrdreg $0x9  }
0xb3: {  	_ =	task.clear_ibuf [dreg:s8], $0x6FFFF;
	_ =	strace $0x90000046  }
0xb4: {  	s29 =	simm.s32 $0x9;
	_ =	strace $0x80000048  }
0xb5: {  	_ =	swait.ge [sflag:s29], $0x1  }
0xb6: {  	[sflag:s29] =	ssyncadd.s32 $0xFFFFFFFF  }
0xb7: {  	_ =	strace $0x90000048  }
0xb8: {  	_ =	sfence  }
0xb9: {  	s30 =	sld [smem:$0x0];
	_ =	sdelay $0x2  }
0xba: {  	s31 =	sshll.u32 s1, $0xD;
	s1 =	sshrl.u32 s1, $0x2  }
0xbb: {  	s3 =	sand.u32 $0x4000, s31;
	s1 =	sadd.s32 s1, s30  }
0xbc: {  	s0 =	sor.u32 s3, s0;
	s1 =	sshll.u32 s1, $0x11  }
0xbd: {  	s0 =	sor.u32 s1, s0  }
0xbe: {  	s0 =	sadd.s32 $0x8F2B, s0  }
0xbf: {  	[sflag:s0] =	ssyncadd.remote.s32 $0x1  }
0xc0: {  	_ =	sfence.sel $0xFFFF  }
0xc1: {  	[dreg:$0x0] =	wrdreg $0xFFFFFFFF;
	(pc) =	sbr.abs _section_cstart, $3  }
0xc2: {  	[dreg:$0x1] =	wrdreg $0xFFFFFFFF  }
0xc3: {  	_ =	task.clear_ibuf [dreg:s8], $0x2FFFF;
	_ =	strace $0x9FFFFFFF  }
0xc4: {  	(tm) =	ssettm $0x7FFFFFFF  }
0xc5: {  	_ =	shalt  }
tec
execute0_lowered:
.L_overlay_start_1:
0x0: {  	(tag) =	ssettag $0x1  }
0x1: {  	v0 =	vimm.f32 $1.500000000e+01;
	vm0 =	vcmask $0x300  }
0x2: {  	vm14 =	vcmask $0x704;
	v0 =	vsel vm0, $0x3089705F, v0  }
0x3: {  	vm15 =	vcmask $0xB08;
	v0 =	vsel vm14, $0x3F800000, v0  }
0x4: {  	vm4 =	vcmask $0xF0C;
	v0 =	vsel vm15, $0x40000000, v0  }
0x5: {  	vm5 =	vcmask $0x1310;
	v0 =	vsel vm4, $0x40400000, v0  }
0x6: {  	vm6 =	vcmask $0x1714;
	v0 =	vsel vm5, $0x40800000, v0  }
0x7: {  	vm7 =	vcmask $0x1B18;
	v0 =	vsel vm6, $0x40A00000, v0  }
0x8: {  	vm8 =	vcmask $0x1F1C;
	v0 =	vsel vm7, $0x40C00000, v0  }
0x9: {  	vm9 =	vcmask $0x2320;
	v0 =	vsel vm8, $0x40E00000, v0  }
0xa: {  	vm10 =	vcmask $0x2724;
	v0 =	vsel vm9, $0x41000000, v0  }
0xb: {  	vm11 =	vcmask $0x2B28;
	v0 =	vsel vm10, $0x41100000, v0  }
0xc: {  	s3 =	rddreg [dreg:$0x0];
	vm12 =	vcmask $0x2F2C;
	v0 =	vsel vm11, $0x41200000, v0  }
0xd: {  	s4 =	rddreg [dreg:$0x1];
	vm13 =	vcmask $0x3330;
	v0 =	vsel vm12, $0x41300000, v0  }
0xe: {  	s5 =	rddreg [dreg:$0x2];
	s1 =	simm.s32 $0x0;
	vm14 =	vcmask $0x3734;
	v0 =	vsel vm13, $0x41400000, v0  }
0xf: {  	[smem:$0x7FF] =	sst s1;
	vm15 =	vcmask $0x3B38;
	v0 =	vsel vm14, $0x41500000, v0  }
0x10: {  	s0 =	rddreg [dreg:$0x3];
	_ =	strace $0x80000047;
	v0 =	vsel vm15, $0x41600000, v0  }
0x11: {  	(erf) = vrcp.f32 v0;
	_ =	sdelay $0x1  }
0x12: {  	s2 =	stileid.u32;
	s6 =	srdreg.scid  }
0x13: {  	s11 =	simm.s32 $0x2;
	s12 =	simm.s32 $0x0;
	s7 =	sshrl.u32 s2, $0x3  }
0x14: {  	s6 =	sand.u32 $0x1, s6;
	s10 =	sshll.u32 s2, $0x1;
	s7 =	smul.u32 $0x880, s7  }
0x15: {  	s8 =	ssub.s32 $0x2, s6;
	s6 =	sor.u32 s6, s10;
	s10 =	simm.s32 $0x6400  }
0x16: {  	s9 =	sshrl.u32 s8, $0x1;
	s31 =	sshll.u32 s6, $0xA;
	s6 =	sshll.u32 s6, $0x7  }
0x17: {  	s3 =	sadd.s32 s7, s3;
	s30 =	ssub.s32 s8, s9;
	s4 =	sadd.s32 s4, s31  }
0x18: {  	s5 =	sadd.s32 s5, s6;
	s7 =	simm.s32 $0x4400;
	s8 =	simm.s32 $0x1  }
0x19: {  	s9 =	simm.s32 $0x6800;
	s3 =	sadd.s32 $0xA00, s3;
	s6 =	smax.u32 s30, $0x1;
	v0 =	vpop (erf)  }
.LBB2_1:
0x1a: {  	[tilespmem:s1], [sflag:$0x1] =	stream.linear.gather [hbm4b:s3+s1], $0x4400, $0x38;
	[tilespmem:$0x6880] =	vst v63  }
0x1b: {  	_ = 	snop  }
0x1c: {  	[tilespmem:s7], [sflag:$0x1] =	stream.linear.gather [hbm4b:s4+s1], $0x2000, $0x38;
	[tilespmem:$0x6880] =	vst v63  }
0x1d: {  	[tilespmem:$0x6800] =	vst v0  }
0x1e: {  	_ =	swait.ge [sflag:s8], $0x4400  }
0x1f: {  	[sflag:s8] =	ssyncset.done $0x0  }
0x20: {  	[sflag:s8] =	ssyncadd.s32 $0xFFFFBC00  }
0x21: {  	_ =	swait.ge [sflag:s8], $0x2000  }
0x22: {  	s13 =	sand.u32 $0x1C00, s1;
	s14 =	sand.u32 $0x70, s1;
	[sflag:s8] =	ssyncset.done $0x0  }
0x23: {  	s13 =	sor.u32 s14, s13;
	[sflag:s8] =	ssyncadd.s32 $0xFFFFE000  }
0x24: {  	v1 =	vld [tilespmem:s13+$0x4400]  }
0x25: {  	v2 =	vld [tilespmem:s13+$0x4480]  }
0x26: {  	v3 =	vld [tilespmem:s13+$0x4500]  }
0x27: {  	v4 =	vld [tilespmem:s13+$0x4580]  }
0x28: {  	v5 =	vld [tilespmem:s13+$0x4600]  }
0x29: {  	s23 =	sor.u32 s1, s1;
	v6 =	vld [tilespmem:s13+$0x4680]  }
0x2a: {  	s24 =	sor.u32 $0x380, s23;
	v7 =	vld [tilespmem:s13+$0x4700]  }
0x2b: {  	s25 =	simm.s32 $0x10;
	s26 =	simm.s32 $0x80;
	v8 =	vld [tilespmem:s24+$0x4400]  }
0x2c: {  	s15 =	sand.u32 $0x1C00, s26;
	s16 =	sand.u32 $0x70, s25  }
0x2d: {  	s15 =	sor.u32 s16, s15  }
0x2e: {  	v25 =	vld [tilespmem:s15+$0x4400];
	v9 =	vshra.s32 v1, $0x1F;
	v10 =	vshra.s32 v2, $0x1F  }
0x2f: {  	v11 =	vshra.s32 v3, $0x1F;
	v12 =	vshra.s32 v4, $0x1F;
	v13 =	vshra.s32 v5, $0x1F  }
0x30: {  	v14 =	vshra.s32 v6, $0x1F;
	v15 =	vshra.s32 v7, $0x1F;
	v16 =	vshra.s32 v8, $0x1F  }
0x31: {  	v17 =	vand.u32 $0x801, v9;
	v18 =	vand.u32 $0x801, v10;
	v19 =	vand.u32 $0x801, v11  }
0x32: {  	v26 =	vld [tilespmem:s15+$0x4480];
	v20 =	vand.u32 $0x801, v12;
	v21 =	vand.u32 $0x801, v13;
	v22 =	vand.u32 $0x801, v14  }
0x33: {  	v23 =	vand.u32 $0x801, v16;
	v9 =	vadd.s32 v10, v9;
	v10 =	vshra.s32 v25, $0x1F  }
0x34: {  	v1 =	vadd.s32 v1, v17;
	v17 =	vand.u32 $0x801, v15;
	v2 =	vadd.s32 v2, v18  }
0x35: {  	v3 =	vadd.s32 v3, v19;
	v4 =	vadd.s32 v4, v20;
	v5 =	vadd.s32 v5, v21  }
0x36: {  	v6 =	vadd.s32 v6, v22;
	v8 =	vadd.s32 v8, v23;
	v9 =	vadd.s32 v11, v9  }
0x37: {  	v11 =	vshra.s32 v26, $0x1F;
	v18 =	vand.u32 $0x7F, v1;
	v7 =	vadd.s32 v7, v17  }
0x38: {  	v1 =	vshll.u32 v1, $0x3;
	v17 =	vand.u32 $0x7F, v2;
	v19 =	vand.u32 $0x7F, v3  }
0x39: {  	v20 =	vand.u32 $0x7F, v4;
	v21 =	vand.u32 $0x7F, v5;
	v22 =	vand.u32 $0x7F, v6  }
0x3a: {  	v2 =	vshll.u32 v2, $0x3;
	v24 =	vand.u32 $0x7F, v8;
	v3 =	vshll.u32 v3, $0x3  }
0x3b: {  	v4 =	vshll.u32 v4, $0x3;
	v5 =	vshll.u32 v5, $0x3;
	v6 =	vshll.u32 v6, $0x3  }
0x3c: {  	v8 =	vshll.u32 v8, $0x3;
	v9 =	vadd.s32 v12, v9;
	v23 =	vand.u32 $0x7F, v7  }
0x3d: {  	v27 =	vld [tilespmem:s15+$0x4500];
	v7 =	vshll.u32 v7, $0x3;
	v1 =	vand.u32 $0xFFFFFC00, v1;
	v2 =	vand.u32 $0xFFFFFC00, v2  }
0x3e: {  	v3 =	vand.u32 $0xFFFFFC00, v3;
	v2 =	vor.u32 v2, v17;
	v17 =	vld [tilespmem:s15+$0x4580];
	v1 =	vor.u32 v18, v1  }
0x3f: {  	v4 =	vand.u32 $0xFFFFFC00, v4;
	v3 =	vor.u32 v3, v19;
	v18 =	vld [tilespmem:s15+$0x4600];
	v2 =	vor.u32 $0x80, v2  }
0x40: {  	s13 =	sor.u32 s26, s25;
	v5 =	vand.u32 $0xFFFFFC00, v5;
	v19 =	vld [tilespmem:s15+$0x4680];
	v4 =	vor.u32 v4, v20;
	v3 =	vor.u32 $0x100, v3  }
0x41: {  	s13 =	sor.u32 $0x380, s13;
	v6 =	vand.u32 $0xFFFFFC00, v6;
	v5 =	vor.u32 v5, v21;
	v20 =	vld [tilespmem:s15+$0x4700];
	v4 =	vor.u32 $0x180, v4  }
0x42: {  	v8 =	vand.u32 $0xFFFFFC00, v8;
	v6 =	vor.u32 v6, v22;
	v21 =	vld [tilespmem:s13+$0x4400];
	v5 =	vor.u32 $0x200, v5  }
0x43: {  	v7 =	vand.u32 $0xFFFFFC00, v7;
	v8 =	vor.u32 v8, v24;
	v6 =	vor.u32 $0x280, v6;
	v1 =	vld.idx.msk [tilespmem:v1+s1+$0x0], $0xffff  }
0x44: {  	v9 =	vadd.s32 v13, v9;
	v7 =	vor.u32 v7, v23;
	v8 =	vor.u32 $0x380, v8;
	v2 =	vld.idx.msk [tilespmem:v2+s1+$0x0], $0xffff  }
0x45: {  	v12 =	vshra.s32 v27, $0x1F;
	v9 =	vadd.s32 v14, v9;
	v7 =	vor.u32 $0x300, v7;
	v3 =	vld.idx.msk [tilespmem:v3+s1+$0x0], $0xffff  }
0x46: {  	v50 =	vand.u32 $0x801, v10;
	v28 =	vand.u32 $0x801, v12;
	v9 =	vadd.s32 v15, v9;
	v4 =	vld.idx.msk [tilespmem:v4+s1+$0x0], $0xffff  }
0x47: {  	v52 =	vadd.s32 v27, v28;
	v9 =	vadd.s32 v16, v9;
	v16 =	vand.u32 $0x801, v11;
	v5 =	vld.idx.msk [tilespmem:v5+s1+$0x0], $0xffff  }
0x48: {  	v24 =	vadd.s32 v25, v50;
	v16 =	vadd.s32 v26, v16;
	v26 =	vshll.u32 v52, $0x3;
	v6 =	vld.idx.msk [tilespmem:v6+s1+$0x0], $0xffff  }
0x49: {  	v9 =	vadd.s32 $0x8, v9;
	v26 =	vand.u32 $0xFFFFFC00, v26;
	v13 =	vshra.s32 v17, $0x1F;
	v8 =	vld.idx.msk [tilespmem:v8+s1+$0x0], $0xffff  }
0x4a: {  	v22 =	vshra.s32 v18, $0x1F;
	v14 =	vshra.s32 v19, $0x1F;
	v23 =	vshra.s32 v20, $0x1F;
	v7 =	vld.idx.msk [tilespmem:v7+s1+$0x0], $0xffff  }
0x4b: {  	v15 =	vshra.s32 v21, $0x1F;
	v29 =	vand.u32 $0x801, v13;
	v30 =	vand.u32 $0x801, v22  }
0x4c: {  	v31 =	vand.u32 $0x801, v14;
	v51 =	vand.u32 $0x801, v23;
	v32 =	vand.u32 $0x801, v15  }
0x4d: {  	v17 =	vadd.s32 v17, v29;
	v18 =	vadd.s32 v18, v30;
	v1 =	vadd.f32 v2, v1  }
0x4e: {  	v2 =	vadd.f32 v4, v3;
	v3 =	vadd.s32 v19, v31;
	v4 =	vadd.f32 v6, v5  }
0x4f: {  	v6 =	vand.u32 $0x7F, v24;
	v19 =	vshll.u32 v24, $0x3;
	v5 =	vadd.f32 v8, v7  }
0x50: {  	v7 =	vld.idx.msk [tilespmem:v9+s9+$0x0], $0xffff;
	v8 =	vadd.s32 v20, v51;
	v9 =	vadd.s32 v21, v32;
	v20 =	vand.u32 $0x7F, v17  }
0x51: {  	s28 =	simm.s32 $0x20;
	s29 =	simm.s32 $0x100;
	v21 =	vand.u32 $0x7F, v18;
	v53 =	vand.u32 $0x7F, v3;
	v17 =	vshll.u32 v17, $0x3  }
0x52: {  	s30 =	sand.u32 $0x1C00, s29;
	s31 =	sand.u32 $0x70, s28;
	v3 =	vshll.u32 v3, $0x3;
	v1 =	vadd.f32 v2, v1;
	v2 =	vadd.f32 v5, v4  }
0x53: {  	s15 =	sor.u32 s31, s30;
	v54 =	vand.u32 $0x7F, v9;
	v9 =	vshll.u32 v9, $0x3;
	v3 =	vand.u32 $0xFFFFFC00, v3  }
0x54: {  	v55 =	vld [tilespmem:s15+$0x4400];
	v4 =	vand.u32 $0x7F, v16;
	v1 =	vadd.f32 v2, v1;
	v2 =	vshll.u32 v16, $0x3  }
0x55: {  	v57 =	vld [tilespmem:s15+$0x4580];
	v5 =	vand.u32 $0x7F, v52;
	v16 =	vand.u32 $0x7F, v8;
	v2 =	vand.u32 $0xFFFFFC00, v2  }
0x56: {  	s13 =	sor.u32 s29, s28;
	v58 =	vld [tilespmem:s15+$0x4600];
	v56 =	vmul.f32 v1, v7;
	v7 =	vshll.u32 v8, $0x3;
	v8 =	vand.u32 $0xFFFFFC00, v19  }
0x57: {  	v59 =	vld [tilespmem:s15+$0x4700];
	s13 =	sor.u32 $0x380, s13;
	v1 =	vshll.u32 v18, $0x3;
	v2 =	vor.u32 v2, v4;
	v6 =	vor.u32 v6, v8  }
0x58: {  	v60 =	vld [tilespmem:s13+$0x4400];
	v4 =	vor.u32 v26, v5;
	v5 =	vand.u32 $0xFFFFFC00, v17;
	v2 =	vor.u32 $0x80, v2  }
0x59: {  	v18 =	vld [tilespmem:s15+$0x4480];
	v4 =	vor.u32 $0x100, v4;
	v5 =	vor.u32 v5, v20;
	v1 =	vand.u32 $0xFFFFFC00, v1  }
0x5a: {  	v3 =	vor.u32 v3, v53;
	v19 =	vld [tilespmem:s15+$0x4500];
	v8 =	vor.u32 $0x180, v5;
	v1 =	vor.u32 v1, v21  }
0x5b: {  	v17 =	vld [tilespmem:s15+$0x4680];
	v20 =	vor.u32 $0x280, v3;
	v5 =	vand.u32 $0xFFFFFC00, v7;
	v1 =	vor.u32 $0x200, v1  }
0x5c: {  	v7 =	vshra.s32 v57, $0x1F;
	v3 =	vor.u32 v5, v16;
	v5 =	vand.u32 $0xFFFFFC00, v9;
	v21 =	vld.idx.msk [tilespmem:v6+s1+$0x0], $0xffff  }
0x5d: {  	v6 =	vadd.s32 v11, v10;
	v9 =	vld.idx.msk [tilespmem:v2+s1+$0x0], $0xffff;
	v2 =	vor.u32 $0x300, v3;
	v3 =	vor.u32 v5, v54  }
0x5e: {  	v10 =	vld.idx.msk [tilespmem:v4+s1+$0x0], $0xffff;
	v5 =	vshra.s32 v55, $0x1F;
	v6 =	vadd.s32 v12, v6;
	v11 =	vor.u32 $0x380, v3  }
0x5f: {  	v3 =	vadd.s32 v13, v6;
	v13 =	vld.idx.msk [tilespmem:v8+s1+$0x0], $0xffff;
	v8 =	vshra.s32 v18, $0x1F;
	v6 =	vshra.s32 v19, $0x1F  }
0x60: {  	v4 =	vadd.s32 v22, v3;
	v22 =	vld.idx.msk [tilespmem:v1+s1+$0x0], $0xffff;
	v3 =	vshra.s32 v58, $0x1F;
	v1 =	vshra.s32 v59, $0x1F  }
0x61: {  	v61 =	vld.idx.msk [tilespmem:v20+s1+$0x0], $0xffff;
	v16 =	vand.u32 $0x801, v6;
	v12 =	vadd.s32 v14, v4;
	v4 =	vshra.s32 v17, $0x1F  }
0x62: {  	v14 =	vand.u32 $0x801, v5;
	v63 =	vand.u32 $0x801, v3;
	v12 =	vadd.s32 v23, v12;
	v23 =	vld.idx.msk [tilespmem:v2+s1+$0x0], $0xffff  }
0x63: {  	v34 =	vand.u32 $0x801, v1;
	v2 =	vshra.s32 v60, $0x1F;
	v12 =	vadd.s32 v15, v12;
	v11 =	vld.idx.msk [tilespmem:v11+s1+$0x0], $0xffff  }
0x64: {  	v33 =	vand.u32 $0x801, v4;
	v27 =	vadd.s32 v55, v14;
	v62 =	vadd.s32 $0x8, v12  }
0x65: {  	v14 =	vadd.s32 v19, v16;
	v9 =	vadd.f32 v9, v21;
	v21 =	vadd.s32 v59, v34  }
0x66: {  	v15 =	vand.u32 $0x801, v8;
	v35 =	vand.u32 $0x801, v2;
	v16 =	vadd.s32 v17, v33  }
0x67: {  	v19 =	vand.u32 $0x7F, v14;
	v12 =	vand.u32 $0x801, v7;
	v10 =	vadd.f32 v13, v10  }
0x68: {  	v20 =	vadd.s32 v18, v15;
	v13 =	vadd.f32 v61, v22;
	v11 =	vadd.f32 v11, v23  }
0x69: {  	v18 =	vand.u32 $0x7F, v27;
	v17 =	vadd.s32 v60, v35;
	v10 =	vadd.f32 v10, v9;
	v9 =	vld.idx.msk [tilespmem:v62+s9+$0x0], $0xffff  }
0x6a: {  	v15 =	vadd.s32 v57, v12;
	v12 =	vadd.s32 v58, v63;
	v11 =	vadd.f32 v11, v13  }
0x6b: {  	s14 =	simm.s32 $0x30;
	s13 =	simm.s32 $0x6400;
	s15 =	simm.s32 $0x180;
	[tilespmem:s10+$0x0] =	vst v56;
	v22 =	vand.u32 $0x7F, v20;
	v23 =	vshll.u32 v27, $0x3;
	v13 =	vand.u32 $0x7F, v15  }
.LBB2_2:
0x6c: {  	s16 =	sand.u32 $0x1C00, s15;
	s17 =	sand.u32 $0x70, s14;
	p0 =	sne.s32 s15, $0x1F80;
	v24 =	vand.u32 $0x7F, v12;
	v25 =	vand.u32 $0x7F, v16;
	v10 =	vadd.f32 v11, v10  }
0x6d: {  	v11 =	vshll.u32 v20, $0x3;
	v20 =	vand.u32 $0x7F, v21;
	v26 =	vand.u32 $0x7F, v17;
	s16 =	sor.u32 s17, s16  }
0x6e: {  	v14 =	vshll.u32 v14, $0x3;
	v15 =	vshll.u32 v15, $0x3;
	v27 =	vld [tilespmem:s16+$0x4400];
	v9 =	vmul.f32 v10, v9  }
0x6f: {  	v12 =	vshll.u32 v12, $0x3;
	v16 =	vshll.u32 v16, $0x3;
	v21 =	vshll.u32 v21, $0x3;
	s13 =	sadd.s32 $0x10, s13;
	v10 =	vld [tilespmem:s16+$0x4480]  }
0x70: {  	v23 =	vand.u32 $0xFFFFFC00, v23;
	v17 =	vshll.u32 v17, $0x3;
	v11 =	vand.u32 $0xFFFFFC00, v11;
	v28 =	vld [tilespmem:s16+$0x4500];
	[tilespmem:s13+$0x0] =	vst v9  }
0x71: {  	v18 =	vor.u32 v18, v23;
	v14 =	vand.u32 $0xFFFFFC00, v14;
	v11 =	vor.u32 v11, v22;
	v9 =	vld [tilespmem:s16+$0x4580]  }
0x72: {  	v15 =	vand.u32 $0xFFFFFC00, v15;
	v14 =	vor.u32 v14, v19;
	v11 =	vor.u32 $0x80, v11;
	v22 =	vld [tilespmem:s16+$0x4600]  }
0x73: {  	s17 =	sor.u32 s15, s14;
	v12 =	vand.u32 $0xFFFFFC00, v12;
	v13 =	vor.u32 v15, v13;
	v14 =	vor.u32 $0x100, v14;
	v19 =	vld [tilespmem:s16+$0x4680]  }
0x74: {  	v12 =	vor.u32 v12, v24;
	v15 =	vand.u32 $0xFFFFFC00, v16;
	v13 =	vor.u32 $0x180, v13;
	v23 =	vld [tilespmem:s16+$0x4700];
	s16 =	sor.u32 $0x380, s17  }
0x75: {  	v16 =	vand.u32 $0xFFFFFC00, v21;
	v12 =	vor.u32 $0x200, v12;
	v15 =	vor.u32 v15, v25;
	v24 =	vld [tilespmem:s16+$0x4400]  }
0x76: {  	v17 =	vand.u32 $0xFFFFFC00, v17;
	v16 =	vor.u32 v16, v20;
	v15 =	vor.u32 $0x280, v15;
	v18 =	vld.idx.msk [tilespmem:v18+s1+$0x0], $0xffff  }
0x77: {  	v5 =	vadd.s32 v8, v5;
	v17 =	vor.u32 v17, v26;
	v16 =	vor.u32 $0x300, v16;
	v11 =	vld.idx.msk [tilespmem:v11+s1+$0x0], $0xffff  }
0x78: {  	v6 =	vadd.s32 v6, v5;
	v21 =	vld.idx.msk [tilespmem:v14+s1+$0x0], $0xffff;
	v14 =	vor.u32 $0x380, v17  }
0x79: {  	v7 =	vadd.s32 v7, v6;
	v5 =	vshra.s32 v27, $0x1F;
	v13 =	vld.idx.msk [tilespmem:v13+s1+$0x0], $0xffff  }
0x7a: {  	v8 =	vshra.s32 v10, $0x1F;
	v6 =	vshra.s32 v28, $0x1F;
	v17 =	vld.idx.msk [tilespmem:v12+s1+$0x0], $0xffff;
	v12 =	vadd.s32 v3, v7  }
0x7b: {  	v7 =	vshra.s32 v9, $0x1F;
	v3 =	vshra.s32 v22, $0x1F;
	v25 =	vld.idx.msk [tilespmem:v15+s1+$0x0], $0xffff;
	v12 =	vadd.s32 v4, v12  }
0x7c: {  	v4 =	vshra.s32 v19, $0x1F;
	v26 =	vld.idx.msk [tilespmem:v16+s1+$0x0], $0xffff;
	v12 =	vadd.s32 v1, v12;
	v1 =	vshra.s32 v23, $0x1F  }
0x7d: {  	v15 =	vand.u32 $0x801, v5;
	v29 =	vld.idx.msk [tilespmem:v14+s1+$0x0], $0xffff;
	v12 =	vadd.s32 v2, v12;
	v2 =	vshra.s32 v24, $0x1F  }
0x7e: {  	v16 =	vand.u32 $0x801, v6;
	v14 =	vand.u32 $0x801, v8;
	v30 =	vadd.s32 $0x8, v12  }
0x7f: {  	v31 =	vand.u32 $0x801, v3;
	v32 =	vand.u32 $0x801, v4;
	v12 =	vand.u32 $0x801, v7  }
0x80: {  	v27 =	vadd.s32 v27, v15;
	v33 =	vand.u32 $0x801, v1;
	v34 =	vand.u32 $0x801, v2  }
0x81: {  	v20 =	vadd.s32 v10, v14;
	v14 =	vadd.s32 v28, v16;
	v15 =	vadd.s32 v9, v12  }
.Ltmp0:
0x82: {  	v10 =	vadd.f32 v11, v18;
	v11 =	vadd.f32 v13, v21;
	v12 =	vadd.s32 v22, v31;
	(pc) =	sbr.rel @p0 .LBB2_2-.Ltmp0, $4  }
0x83: {  	v16 =	vadd.s32 v19, v32;
	v13 =	vadd.f32 v25, v17;
	v19 =	vadd.f32 v29, v26;
	v9 =	vld.idx.msk [tilespmem:v30+s9+$0x0], $0xffff  }
0x84: {  	v18 =	vand.u32 $0x7F, v27;
	v21 =	vadd.s32 v23, v33;
	v17 =	vadd.s32 v24, v34  }
0x85: {  	v23 =	vshll.u32 v27, $0x3;
	v10 =	vadd.f32 v11, v10;
	v11 =	vadd.f32 v19, v13  }
0x86: {  	s14 =	sadd.s32 $0x10, s14;
	s15 =	sadd.s32 $0x80, s15;
	v22 =	vand.u32 $0x7F, v20;
	v19 =	vand.u32 $0x7F, v14;
	v13 =	vand.u32 $0x7F, v15  }
0x87: {  	v24 =	vand.u32 $0x7F, v12  }
0x88: {  	v25 =	vand.u32 $0x7F, v16;
	v20 =	vshll.u32 v20, $0x3;
	v23 =	vand.u32 $0xFFFFFC00, v23  }
0x89: {  	v26 =	vand.u32 $0x7F, v21;
	v49 =	vand.u32 $0x7F, v17;
	v14 =	vshll.u32 v14, $0x3  }
0x8a: {  	v15 =	vshll.u32 v15, $0x3;
	v50 =	vshll.u32 v12, $0x3;
	v51 =	vshll.u32 v16, $0x3  }
0x8b: {  	v52 =	vshll.u32 v21, $0x3;
	v53 =	vshll.u32 v17, $0x3;
	v20 =	vand.u32 $0xFFFFFC00, v20  }
0x8c: {  	v18 =	vor.u32 v18, v23;
	v14 =	vand.u32 $0xFFFFFC00, v14;
	v20 =	vor.u32 v20, v22  }
0x8d: {  	v15 =	vand.u32 $0xFFFFFC00, v15;
	v14 =	vor.u32 v14, v19;
	v20 =	vor.u32 $0x80, v20  }
0x8e: {  	v12 =	vand.u32 $0xFFFFFC00, v50;
	v13 =	vor.u32 v15, v13;
	v14 =	vor.u32 $0x100, v14  }
0x8f: {  	v54 =	vand.u32 $0xFFFFFC00, v51;
	v12 =	vor.u32 v12, v24;
	v13 =	vor.u32 $0x180, v13  }
0x90: {  	v55 =	vand.u32 $0xFFFFFC00, v52;
	v15 =	vor.u32 v54, v25;
	v12 =	vor.u32 $0x200, v12  }
0x91: {  	v17 =	vand.u32 $0xFFFFFC00, v53;
	v16 =	vor.u32 v55, v26;
	v15 =	vor.u32 $0x280, v15;
	v18 =	vld.idx.msk [tilespmem:v18+s1+$0x0], $0xffff  }
0x92: {  	v5 =	vadd.s32 v8, v5;
	v17 =	vor.u32 v17, v49;
	v16 =	vor.u32 $0x300, v16;
	v56 =	vld.idx.msk [tilespmem:v20+s1+$0x0], $0xffff  }
0x93: {  	v5 =	vadd.s32 v6, v5;
	v58 =	vor.u32 $0x380, v17;
	v57 =	vld.idx.msk [tilespmem:v14+s1+$0x0], $0xffff  }
0x94: {  	v5 =	vadd.s32 v7, v5;
	v59 =	vld.idx.msk [tilespmem:v13+s1+$0x0], $0xffff  }
0x95: {  	v3 =	vadd.s32 v3, v5;
	v60 =	vld.idx.msk [tilespmem:v12+s1+$0x0], $0xffff  }
0x96: {  	v3 =	vadd.s32 v4, v3;
	v61 =	vld.idx.msk [tilespmem:v15+s1+$0x0], $0xffff  }
0x97: {  	v1 =	vadd.s32 v1, v3;
	v62 =	vld.idx.msk [tilespmem:v16+s1+$0x0], $0xffff  }
0x98: {  	v1 =	vadd.s32 v2, v1;
	v3 =	vld.idx.msk [tilespmem:v58+s1+$0x0], $0xffff  }
0x99: {  	v1 =	vadd.s32 $0x8, v1;
	_ =	sdelay $0x2  }
0x9a: {  	v2 =	vadd.f32 v56, v18;
	v6 =	vadd.f32 v59, v57  }
0x9b: {  	v5 =	vadd.f32 v61, v60;
	v3 =	vadd.f32 v3, v62  }
0x9c: {  	v1 =	vld.idx.msk [tilespmem:v1+s9+$0x0], $0xffff  }
0x9d: {  	v2 =	vadd.f32 v6, v2;
	v3 =	vadd.f32 v3, v5  }
0x9e: {  	v63 =	vadd.f32 v11, v10  }
0x9f: {  	v2 =	vadd.f32 v3, v2  }
0xa0: {  	v3 =	vmul.f32 v63, v9  }
0xa1: {  	s13 =	sadd.s32 $0x10, s13;
	s12 =	sadd.s32 $0x1, s12;
	v1 =	vmul.f32 v2, v1  }
0xa2: {  	p0 =	sne.s32 s12, s6;
	[tilespmem:s13+$0x0] =	vst v3;
	s13 =	sadd.s32 $0x10, s13  }
.Ltmp1:
0xa3: {  	[tilespmem:s13+$0x0] =	vst v1;
	(pc) =	sbr.rel @p0 .LBB2_1-.Ltmp1, $4  }
0xa4: {  	[hbm4b:s5+s1] =	stream.linear.scatter [tilespmem:s10], [sflag:$0x2], $0x400, $0x38;
	[tilespmem:$0x6880] =	vst v63  }
0xa5: {  	_ =	swait.ge [sflag:s11], $0x400  }
0xa6: {  	[sflag:s11] =	ssyncset.done $0x0  }
0xa7: {  	[sflag:s11] =	ssyncadd.s32 $0xFFFFFC00  }
0xa8: {  	_ =	sfence.sel $0x180000  }
0xa9: {  	[bflag:$0x0] =	sbarrier.arrive $0xFFFF  }
0xaa: {  	p0 =	sne.s32 s2, $0x0;
	_ =	strace $0x90000047  }
0xab: {  	s0 =	sadd.s32 @!p0 $0x100000, s0;
	[bflag:$0x2] =	sbarrier.arrive $0xFFFF  }
0xac: {  	[sflag:s0] =	ssyncadd.tile.s32 @!p0 $0x1;
	_ =	shalt  }
.Lfunc_end2:
_tile_overlayer_lowered:
.L_overlay_start_2:
0xad: {  	(tag) =	ssettag $0x2  }
0xae: {  	s0 =	rddreg [dreg:$0x0];
	s2 =	stileid.u32  }
0xaf: {  	s1 =	rddreg [dreg:$0x1];
	p0 =	sne.s32 s2, $0x0  }
0xb0: {  	s3 =	rddreg [dreg:$0x2];
	[bflag:$0x3] =	sbarrier.arrive $0xFFFF;
	s2 =	simm.s32 @!p0 $0x1C02  }
0xb1: {  	[timem:s3], [sflag:s2] =	dma.local @!p0 [hbm:s0], s1  }
0xb2: {  	s0 =	simm.s32 @!p0 $0x2  }
0xb3: {  	_ =	swait.ge @!p0 [sflag:s0], s1  }
0xb4: {  	s1 =	ssub.s32 @!p0 $0x0, s1;
	[sflag:s0] =	ssyncset.done @!p0 $0x0  }
0xb5: {  	[sflag:s0] =	ssyncadd.s32 @!p0 s1  }
0xb6: {  	[bflag:$0x3] =	sbarrier.arrive $0xFFFF  }
0xb7: {  	_ =	shalt  }

</sc_bundles>
